<compile_context>
chip_gen: v7x
topology: tpu7x:2x2x1
jax: 0.10.2.dev20260603
libtpu: 0.0.44.dev20260713+nightly
codegen_flags: <defaults>
</compile_context>

<pallas_src>
import functools

import jax
import jax.numpy as jnp
from jax import lax
from jax.experimental import pallas as pl
from jax.experimental.pallas import tpu as pltpu
from jax.experimental.pallas import tpu_sc as plsc

B = 4096
EMB = 64
H1 = 256
H2 = 128
NW = 32
BPW = B // NW
CH = 512
NCH = B // CH
EPS = 1e-5


def _gather_deal(deal_table, idx):
    mesh = plsc.VectorSubcoreMesh(core_axis_name="c", subcore_axis_name="s")

    @functools.partial(
        pl.kernel,
        mesh=mesh,
        compiler_params=pltpu.CompilerParams(use_tc_tiling_on_sc=False),
        out_type=jax.ShapeDtypeStruct((B, EMB), jnp.float32),
        scratch_types=[
            pltpu.VMEM((BPW,), jnp.int32),
            pltpu.VMEM((BPW, EMB), jnp.float32),
            pltpu.SemaphoreType.DMA,
        ],
    )
    def gk(table_hbm, idx_hbm, out_hbm, idx_v, rows_v, sem):
        wid = lax.axis_index("s") * 2 + lax.axis_index("c")
        base = wid * BPW
        pltpu.sync_copy(idx_hbm.at[pl.ds(base, BPW)], idx_v)
        pltpu.async_copy(table_hbm.at[idx_v], rows_v, sem).wait()
        pltpu.sync_copy(rows_v, out_hbm.at[pl.ds(base, BPW)])

    return gk(deal_table, idx)


def _mlp_body(idemb, idx3, num, stab, ttab, rtab, w1, b1, g1, be1,
              w2, b2, g2, be2, out, h1b, h2b, s1, q1, s2, q2):
    p = pl.program_id(0)
    j = pl.program_id(1)
    base = j * CH
    ones_row = jnp.ones((8, CH), jnp.float32)

    @pl.when(p == 0)
    def _phase0():
        sec = idx3[:, 0:1]
        stg = idx3[:, 1:2]
        reg = idx3[:, 2:3]
        oh_s = (lax.broadcasted_iota(jnp.int32, (CH, 32), 1) == sec
                ).astype(jnp.float32)
        oh_t = (lax.broadcasted_iota(jnp.int32, (CH, 16), 1) == stg
                ).astype(jnp.float32)
        oh_r = (lax.broadcasted_iota(jnp.int32, (CH, 32), 1) == reg
                ).astype(jnp.float32)
        ws = jnp.dot(stab[...], w1[64:80, :], preferred_element_type=jnp.float32)
        wt = jnp.dot(ttab[...], w1[80:96, :], preferred_element_type=jnp.float32)
        wr = jnp.dot(rtab[...], w1[96:112, :], preferred_element_type=jnp.float32)
        h = jnp.dot(idemb[...], w1[0:64, :], preferred_element_type=jnp.float32)
        h = h + jnp.dot(oh_s, ws, preferred_element_type=jnp.float32)
        h = h + jnp.dot(oh_t, wt, preferred_element_type=jnp.float32)
        h = h + jnp.dot(oh_r, wr, preferred_element_type=jnp.float32)
        h = h + jnp.dot(num[...], w1[112:120, :], preferred_element_type=jnp.float32)
        h = jnp.maximum(h + b1[...], 0.0)
        h1b[pl.ds(base, CH), :] = h

        @pl.when(j == 0)
        def _():
            s1[...] = jnp.zeros_like(s1)
            q1[...] = jnp.zeros_like(q1)

        s1[...] += jnp.sum(h, axis=0, keepdims=True)
        q1[...] += jnp.sum(h * h, axis=0, keepdims=True)

    @pl.when(p == 1)
    def _phase1():
        mu = s1[...] * (1.0 / B)
        var = q1[...] * (1.0 / B) - mu * mu
        inv = g1[...] / jnp.sqrt(var + EPS)
        h = h1b[pl.ds(base, CH), :]
        h = (h - mu) * inv + be1[...]
        h = jnp.dot(h, w2[...], preferred_element_type=jnp.float32)
        h = jnp.maximum(h + b2[...], 0.0)
        h2b[pl.ds(base, CH), :] = h

        @pl.when(j == 0)
        def _():
            s2[...] = jnp.zeros_like(s2)
            q2[...] = jnp.zeros_like(q2)

        s2[...] += jnp.sum(h, axis=0, keepdims=True)
        q2[...] += jnp.sum(h * h, axis=0, keepdims=True)

    @pl.when(p == 2)
    def _phase2():
        mu = s2[...] * (1.0 / B)
        var = q2[...] * (1.0 / B) - mu * mu
        inv = g2[...] / jnp.sqrt(var + EPS)
        h = h2b[pl.ds(base, CH), :]
        h = (h - mu) * inv + be2[...]
        nrm = jnp.sqrt(jnp.sum(h * h, axis=1, keepdims=True))
        out[...] = h / jnp.maximum(nrm, 1e-12)


def _mlp_call(idemb, idx3, num, stab, ttab, rtabp, w1p,
              b1r, g1r, be1r, w2, b2r, g2r, be2r):
    chunk0 = lambda p, j: (jnp.where(p == 0, j, 0), 0)
    chunk2 = lambda p, j: (jnp.where(p == 2, j, 0), 0)
    whole = lambda p, j: (0, 0)
    return pl.pallas_call(
        _mlp_body,
        grid=(3, NCH),
        in_specs=[
            pl.BlockSpec((CH, EMB), chunk0),
            pl.BlockSpec((CH, 4), chunk0),
            pl.BlockSpec((CH, 8), chunk0),
            pl.BlockSpec((32, 16), whole),
            pl.BlockSpec((16, 16), whole),
            pl.BlockSpec((32, 16), whole),
            pl.BlockSpec((128, H1), whole),
            pl.BlockSpec((1, H1), whole),
            pl.BlockSpec((1, H1), whole),
            pl.BlockSpec((1, H1), whole),
            pl.BlockSpec((H1, H2), whole),
            pl.BlockSpec((1, H2), whole),
            pl.BlockSpec((1, H2), whole),
            pl.BlockSpec((1, H2), whole),
        ],
        out_specs=pl.BlockSpec((CH, H2), chunk2),
        out_shape=jax.ShapeDtypeStruct((B, H2), jnp.float32),
        scratch_shapes=[
            pltpu.VMEM((B, H1), jnp.float32),
            pltpu.VMEM((B, H2), jnp.float32),
            pltpu.VMEM((1, H1), jnp.float32),
            pltpu.VMEM((1, H1), jnp.float32),
            pltpu.VMEM((1, H2), jnp.float32),
            pltpu.VMEM((1, H2), jnp.float32),
        ],
    )(idemb, idx3, num, stab, ttab, rtabp, w1p,
      b1r, g1r, be1r, w2, b2r, g2r, be2r)


def kernel(id, sector, stage, region, deal_size, revenue_multiple,
           growth_rate, profitability, team_experience, market_size,
           deal_table, sector_table, stage_table, region_table,
           W1, b1, g1, beta1, W2, b2, g2, beta2):
    idemb = _gather_deal(deal_table, id)
    zeros_i = jnp.zeros_like(sector)
    idx3 = jnp.stack([sector, stage, region, zeros_i], axis=-1)
    zeros_f = jnp.zeros_like(deal_size)
    num = jnp.stack([deal_size, revenue_multiple, growth_rate, profitability,
                     team_experience, market_size, zeros_f, zeros_f], axis=-1)
    w1p = jnp.pad(W1, ((0, 128 - W1.shape[0]), (0, 0)))
    rtabp = jnp.pad(region_table, ((0, 8), (0, 0)))
    return _mlp_call(
        idemb, idx3, num, sector_table, stage_table, rtabp, w1p,
        b1.reshape(1, H1), g1.reshape(1, H1), beta1.reshape(1, H1),
        W2, b2.reshape(1, H2), g2.reshape(1, H2), beta2.reshape(1, H2))

# --- scband reference (transcript-rebuilt; emitter-appended) ---
"""Pipeline reference for scband-deal-tower-5334349381767 (READ-ONLY COPY).

The authoritative reference and input builder live on the scoring server;
editing this copy changes nothing except your own understanding.
"""

import jax, jax.numpy as jnp
import numpy as np

B = 4096
N_DEALS = 100000
EMB = 64
H1, H2 = 256, 128
IN_DIM = EMB + 16 + 16 + 16 + 6

def _xavier(k, shape):
    fan_in, fan_out = shape[0], shape[1]
    limit = float(np.sqrt(6.0 / (fan_in + fan_out)))
    return jax.random.uniform(k, shape, dtype=jnp.float32, minval=-limit, maxval=limit)

def setup_inputs(seed: int = 0) -> dict:
    key = jax.random.key(seed)
    ks = jax.random.split(key, 20)
    inp = {}
    inp['id'] = jax.random.randint(ks[0], (B,), 0, N_DEALS)
    inp['sector'] = jax.random.randint(ks[1], (B,), 0, 32)
    inp['stage'] = jax.random.randint(ks[2], (B,), 0, 16)
    inp['region'] = jax.random.randint(ks[3], (B,), 0, 24)
    names = ['deal_size', 'revenue_multiple', 'growth_rate', 'profitability', 'team_experience', 'market_size']
    for i, name in enumerate(names):
        inp[name] = jax.random.normal(ks[4 + i], (B,), dtype=jnp.float32)
    inp['deal_table'] = _xavier(ks[10], (N_DEALS, EMB))
    inp['sector_table'] = _xavier(ks[11], (32, 16))
    inp['stage_table'] = _xavier(ks[12], (16, 16))
    inp['region_table'] = _xavier(ks[13], (24, 16))
    inp['W1'] = _xavier(ks[14], (IN_DIM, H1))
    inp['b1'] = jnp.zeros((H1,), dtype=jnp.float32)
    inp['g1'] = jnp.ones((H1,), dtype=jnp.float32)
    inp['beta1'] = jnp.zeros((H1,), dtype=jnp.float32)
    inp['W2'] = _xavier(ks[15], (H1, H2))
    inp['b2'] = jnp.zeros((H2,), dtype=jnp.float32)
    inp['g2'] = jnp.ones((H2,), dtype=jnp.float32)
    inp['beta2'] = jnp.zeros((H2,), dtype=jnp.float32)
    return inp

def _batchnorm(x, gamma, beta, eps=1e-5):
    mu = jnp.mean(x, axis=0, keepdims=True)
    var = jnp.var(x, axis=0, keepdims=True)
    return gamma * (x - mu) / jnp.sqrt(var + eps) + beta

def reference(id, sector, stage, region, deal_size, revenue_multiple, growth_rate, profitability, team_experience, market_size, deal_table, sector_table, stage_table, region_table, W1, b1, g1, beta1, W2, b2, g2, beta2):
    id_emb = jnp.take(deal_table, id, axis=0)
    sector_emb = jnp.take(sector_table, sector, axis=0)
    stage_emb = jnp.take(stage_table, stage, axis=0)
    region_emb = jnp.take(region_table, region, axis=0)
    numerical = jnp.stack([deal_size, revenue_multiple, growth_rate, profitability, team_experience, market_size], axis=-1)
    x = jnp.concatenate([id_emb, sector_emb, stage_emb, region_emb, numerical], axis=-1)
    h = jnp.dot(x, W1) + b1
    h = jax.nn.relu(h)
    h = _batchnorm(h, g1, beta1)
    h = jnp.dot(h, W2) + b2
    h = jax.nn.relu(h)
    h = _batchnorm(h, g2, beta2)
    norm = jnp.linalg.norm(h, axis=-1, keepdims=True)
    return h / jnp.maximum(norm, 1e-12)

if __name__ == "__main__":
    import jax
    _d = setup_inputs()
    print(jax.jit(kernel)(*tuple(_d.values())))

</pallas_src>

<mosaic_0001>
#map = affine_map<(d0, d1) -> (0, 0)>
#map1 = affine_map<(d0, d1) -> (0)>
module attributes {stable_mosaic.version = 14 : i64} {
  func.func @gk(%arg0: i32, %arg1: i32, %arg2: memref<100000x64xf32, #tpu.memory_space<hbm>>, %arg3: memref<4096xi32, #tpu.memory_space<hbm>>, %arg4: memref<4096x64xf32, #tpu.memory_space<hbm>>, %arg5: memref<128xi32, #tpu.memory_space<vmem>>, %arg6: memref<128x64xf32, #tpu.memory_space<vmem>>, %arg7: memref<!tpu.dma_semaphore, #tpu.memory_space<semaphore_mem>>) attributes {dimension_semantics = [#tpu.dimension_semantics<core_parallel>, #tpu.dimension_semantics<subcore_parallel>], iteration_bounds = array<i64: 2, 16>, scalar_prefetch = 0 : i64, scratch_operands = 3 : i64, tpu.core_type = #tpu.core_type<sc_vector_subcore>, window_params = [{transform_indices = #map}, {transform_indices = #map1}, {transform_indices = #map}]} {
    %mul3A = arith.constant 2 : i32
    %mul3A_0 = arith.muli %arg1, %mul3A : i32
    %add3A = arith.addi %mul3A_0, %arg0 : i32
    %mul3A_1 = arith.constant 128 : i32
    %mul3A_2 = arith.muli %add3A, %mul3A_1 : i32
    "tpu.region"() ({
      %run_scoped3A = tpu.sem_alloc : memref<!tpu.dma_semaphore, #tpu.memory_space<semaphore_mem>>
      %dma_start3A_7 = tpu.memref_slice %arg3[%mul3A_2] : memref<4096xi32, #tpu.memory_space<hbm>> -> memref<128xi32, #tpu.memory_space<hbm>>
      %dma_start3A_8 = tpu.memref_slice %arg3[%mul3A_2] : memref<4096xi32, #tpu.memory_space<hbm>> -> memref<128xi32, #tpu.memory_space<hbm>>
      tpu.enqueue_dma source(%dma_start3A_8 : memref<128xi32, #tpu.memory_space<hbm>>) target(%arg5 : memref<128xi32, #tpu.memory_space<vmem>>) target_semaphore(%run_scoped3A : memref<!tpu.dma_semaphore, #tpu.memory_space<semaphore_mem>>)
      %dma_wait3A_9 = tpu.memref_slice %arg3[%mul3A_2] : memref<4096xi32, #tpu.memory_space<hbm>> -> memref<128xi32, #tpu.memory_space<hbm>>
      %dma_wait3A_10 = tpu.memref_slice %arg3[%mul3A_2] : memref<4096xi32, #tpu.memory_space<hbm>> -> memref<128xi32, #tpu.memory_space<hbm>>
      tpu.wait_dma2 semaphore(%run_scoped3A : memref<!tpu.dma_semaphore, #tpu.memory_space<semaphore_mem>>) src(%dma_wait3A_10 : memref<128xi32, #tpu.memory_space<hbm>>) dst(%arg5 : memref<128xi32, #tpu.memory_space<vmem>>)
      tpu.yield
    }) : () -> ()
    %dma_start3A = arith.constant 0 : i32
    %dma_start3A_3 = arith.constant 0 : i32
    %dma_start3A_4 = tpu.memref_slice %arg2[%dma_start3A, %dma_start3A_3] : memref<100000x64xf32, #tpu.memory_space<hbm>> -> memref<100000x64xf32, #tpu.memory_space<hbm>>
    tpu.enqueue_indirect_dma source(%dma_start3A_4 : memref<100000x64xf32, #tpu.memory_space<hbm>>) target(%arg6 : memref<128x64xf32, #tpu.memory_space<vmem>>) offsets(%arg5 : memref<128xi32, #tpu.memory_space<vmem>>) semaphore(%arg7 : memref<!tpu.dma_semaphore, #tpu.memory_space<semaphore_mem>>)
    %dma_wait3A = arith.constant 0 : i32
    %dma_wait3A_5 = arith.constant 0 : i32
    %dma_wait3A_6 = tpu.memref_slice %arg2[%dma_wait3A, %dma_wait3A_5] : memref<100000x64xf32, #tpu.memory_space<hbm>> -> memref<100000x64xf32, #tpu.memory_space<hbm>>
    tpu.wait_indirect_dma semaphore(%arg7 : memref<!tpu.dma_semaphore, #tpu.memory_space<semaphore_mem>>) src(%dma_wait3A_6 : memref<100000x64xf32, #tpu.memory_space<hbm>>) dst(%arg6 : memref<128x64xf32, #tpu.memory_space<vmem>>)
    "tpu.region"() ({
      %run_scoped3A = tpu.sem_alloc : memref<!tpu.dma_semaphore, #tpu.memory_space<semaphore_mem>>
      %dma_start3A_7 = arith.constant 0 : i32
      %dma_start3A_8 = tpu.memref_slice %arg4[%mul3A_2, %dma_start3A_7] : memref<4096x64xf32, #tpu.memory_space<hbm>> -> memref<128x64xf32, #tpu.memory_space<hbm>>
      %dma_start3A_9 = arith.constant 0 : i32
      %dma_start3A_10 = tpu.memref_slice %arg4[%mul3A_2, %dma_start3A_9] : memref<4096x64xf32, #tpu.memory_space<hbm>> -> memref<128x64xf32, #tpu.memory_space<hbm>>
      tpu.enqueue_dma source(%arg6 : memref<128x64xf32, #tpu.memory_space<vmem>>) target(%dma_start3A_10 : memref<128x64xf32, #tpu.memory_space<hbm>>) target_semaphore(%run_scoped3A : memref<!tpu.dma_semaphore, #tpu.memory_space<semaphore_mem>>)
      %dma_wait3A_11 = arith.constant 0 : i32
      %dma_wait3A_12 = tpu.memref_slice %arg4[%mul3A_2, %dma_wait3A_11] : memref<4096x64xf32, #tpu.memory_space<hbm>> -> memref<128x64xf32, #tpu.memory_space<hbm>>
      %dma_wait3A_13 = arith.constant 0 : i32
      %dma_wait3A_14 = tpu.memref_slice %arg4[%mul3A_2, %dma_wait3A_13] : memref<4096x64xf32, #tpu.memory_space<hbm>> -> memref<128x64xf32, #tpu.memory_space<hbm>>
      tpu.wait_dma2 semaphore(%run_scoped3A : memref<!tpu.dma_semaphore, #tpu.memory_space<semaphore_mem>>) src(%arg6 : memref<128x64xf32, #tpu.memory_space<vmem>>) dst(%dma_wait3A_14 : memref<128x64xf32, #tpu.memory_space<hbm>>)
      tpu.yield
    }) : () -> ()
    return
  }
}

module attributes {stable_mosaic.version = 14 : i64} {
  func.func @_mlp_body(%arg0: i32, %arg1: i32, %arg2: memref<512x64xf32, #tpu.memory_space<vmem>>, %arg3: memref<512x4xi32, #tpu.memory_space<vmem>>, %arg4: memref<512x8xf32, #tpu.memory_space<vmem>>, %arg5: memref<32x16xf32, #tpu.memory_space<vmem>>, %arg6: memref<16x16xf32, #tpu.memory_space<vmem>>, %arg7: memref<32x16xf32, #tpu.memory_space<vmem>>, %arg8: memref<128x256xf32, #tpu.memory_space<vmem>>, %arg9: memref<1x256xf32, #tpu.memory_space<vmem>>, %arg10: memref<1x256xf32, #tpu.memory_space<vmem>>, %arg11: memref<1x256xf32, #tpu.memory_space<vmem>>, %arg12: memref<256x128xf32, #tpu.memory_space<vmem>>, %arg13: memref<1x128xf32, #tpu.memory_space<vmem>>, %arg14: memref<1x128xf32, #tpu.memory_space<vmem>>, %arg15: memref<1x128xf32, #tpu.memory_space<vmem>>, %arg16: memref<512x128xf32, #tpu.memory_space<vmem>>, %arg17: memref<4096x256xf32, #tpu.memory_space<vmem>>, %arg18: memref<4096x128xf32, #tpu.memory_space<vmem>>, %arg19: memref<1x256xf32, #tpu.memory_space<vmem>>, %arg20: memref<1x256xf32, #tpu.memory_space<vmem>>, %arg21: memref<1x128xf32, #tpu.memory_space<vmem>>, %arg22: memref<1x128xf32, #tpu.memory_space<vmem>>) attributes {dimension_semantics = [#tpu.dimension_semantics<arbitrary>, #tpu.dimension_semantics<arbitrary>], iteration_bounds = array<i64: 3, 8>, scalar_prefetch = 0 : i64, scratch_operands = 6 : i64, tpu.core_type = #tpu.core_type<tc>, window_params = [{transform_indices = @transform_0, window_bounds = array<i64: 512, 64>}, {transform_indices = @transform_1, window_bounds = array<i64: 512, 4>}, {transform_indices = @transform_2, window_bounds = array<i64: 512, 8>}, {pipeline_mode = #tpu.pipeline_mode<synchronous>, transform_indices = @transform_3, window_bounds = array<i64: 32, 16>}, {pipeline_mode = #tpu.pipeline_mode<synchronous>, transform_indices = @transform_4, window_bounds = array<i64: 16, 16>}, {pipeline_mode = #tpu.pipeline_mode<synchronous>, transform_indices = @transform_5, window_bounds = array<i64: 32, 16>}, {pipeline_mode = #tpu.pipeline_mode<synchronous>, transform_indices = @transform_6, window_bounds = array<i64: 128, 256>}, {pipeline_mode = #tpu.pipeline_mode<synchronous>, transform_indices = @transform_7, window_bounds = array<i64: 1, 256>}, {pipeline_mode = #tpu.pipeline_mode<synchronous>, transform_indices = @transform_8, window_bounds = array<i64: 1, 256>}, {pipeline_mode = #tpu.pipeline_mode<synchronous>, transform_indices = @transform_9, window_bounds = array<i64: 1, 256>}, {pipeline_mode = #tpu.pipeline_mode<synchronous>, transform_indices = @transform_10, window_bounds = array<i64: 256, 128>}, {pipeline_mode = #tpu.pipeline_mode<synchronous>, transform_indices = @transform_11, window_bounds = array<i64: 1, 128>}, {pipeline_mode = #tpu.pipeline_mode<synchronous>, transform_indices = @transform_12, window_bounds = array<i64: 1, 128>}, {pipeline_mode = #tpu.pipeline_mode<synchronous>, transform_indices = @transform_13, window_bounds = array<i64: 1, 128>}, {transform_indices = @transform_14, window_bounds = array<i64: 512, 128>}]} {
    %mul3A = arith.constant 512 : i32
    %mul3A_0 = arith.muli %arg1, %mul3A : i32
    %eq3A = arith.constant 0 : i32
    %eq3A_1 = arith.cmpi eq, %arg0, %eq3A : i32
    %convert_element_type3A = arith.extui %eq3A_1 : i1 to i32
    %cond3A = arith.constant 0 : i32
    %cond3A_2 = arith.cmpi ne, %convert_element_type3A, %cond3A : i32
    scf.if %cond3A_2 {
      %get3A = arith.constant 0 : index
      %get3A_13 = arith.constant 0 : index
      %get3A_14 = vector.load %arg3[%get3A, %get3A_13] : memref<512x4xi32, #tpu.memory_space<vmem>>, vector<512x1xi32>
      %get3A_15 = arith.constant 0 : index
      %get3A_16 = arith.constant 1 : index
      %get3A_17 = vector.load %arg3[%get3A_15, %get3A_16] : memref<512x4xi32, #tpu.memory_space<vmem>>, vector<512x1xi32>
      %get3A_18 = arith.constant 0 : index
      %get3A_19 = arith.constant 2 : index
      %get3A_20 = vector.load %arg3[%get3A_18, %get3A_19] : memref<512x4xi32, #tpu.memory_space<vmem>>, vector<512x1xi32>
      %iota3A = tpu.iota {dimensions = array<i32: 1>} : vector<512x32xi32>
      %eq3A_21 = vector.broadcast %get3A_14 : vector<512x1xi32> to vector<512x32xi32>
      %eq3A_22 = arith.cmpi eq, %iota3A, %eq3A_21 : vector<512x32xi32>
      %convert_element_type3A_23 = arith.extui %eq3A_22 : vector<512x32xi1> to vector<512x32xi32>
      %convert_element_type3A_24 = arith.sitofp %convert_element_type3A_23 : vector<512x32xi32> to vector<512x32xf32>
      %iota3A_25 = tpu.iota {dimensions = array<i32: 1>} : vector<512x16xi32>
      %eq3A_26 = vector.broadcast %get3A_17 : vector<512x1xi32> to vector<512x16xi32>
      %eq3A_27 = arith.cmpi eq, %iota3A_25, %eq3A_26 : vector<512x16xi32>
      %convert_element_type3A_28 = arith.extui %eq3A_27 : vector<512x16xi1> to vector<512x16xi32>
      %convert_element_type3A_29 = arith.sitofp %convert_element_type3A_28 : vector<512x16xi32> to vector<512x16xf32>
      %iota3A_30 = tpu.iota {dimensions = array<i32: 1>} : vector<512x32xi32>
      %eq3A_31 = vector.broadcast %get3A_20 : vector<512x1xi32> to vector<512x32xi32>
      %eq3A_32 = arith.cmpi eq, %iota3A_30, %eq3A_31 : vector<512x32xi32>
      %convert_element_type3A_33 = arith.extui %eq3A_32 : vector<512x32xi1> to vector<512x32xi32>
      %convert_element_type3A_34 = arith.sitofp %convert_element_type3A_33 : vector<512x32xi32> to vector<512x32xf32>
      %get3A_35 = arith.constant 0 : index
      %get3A_36 = arith.constant 0 : index
      %get3A_37 = vector.load %arg5[%get3A_35, %get3A_36] : memref<32x16xf32, #tpu.memory_space<vmem>>, vector<32x16xf32>
      %get3A_38 = arith.constant 64 : index
      %get3A_39 = arith.constant 0 : index
      %get3A_40 = vector.load %arg8[%get3A_38, %get3A_39] : memref<128x256xf32, #tpu.memory_space<vmem>>, vector<16x256xf32>
      %dot_general3A = arith.constant dense<0.000000e+00> : vector<32x256xf32>
      %dot_general3A_41 = tpu.matmul %get3A_37, %get3A_40, %dot_general3A {dimension_numbers = #tpu.dot_dimension_numbers<[1], [0], [0], [1], [0, 0, 1, 1], [], []>, transpose_lhs_hint = false} : vector<32x16xf32>, vector<16x256xf32>, vector<32x256xf32> -> vector<32x256xf32>
      %get3A_42 = arith.constant 0 : index
      %get3A_43 = arith.constant 0 : index
      %get3A_44 = vector.load %arg6[%get3A_42, %get3A_43] : memref<16x16xf32, #tpu.memory_space<vmem>>, vector<16x16xf32>
      %get3A_45 = arith.constant 80 : index
      %get3A_46 = arith.constant 0 : index
      %get3A_47 = vector.load %arg8[%get3A_45, %get3A_46] : memref<128x256xf32, #tpu.memory_space<vmem>>, vector<16x256xf32>
      %dot_general3A_48 = arith.constant dense<0.000000e+00> : vector<16x256xf32>
      %dot_general3A_49 = tpu.matmul %get3A_44, %get3A_47, %dot_general3A_48 {dimension_numbers = #tpu.dot_dimension_numbers<[1], [0], [0], [1], [0, 0, 1, 1], [], []>, transpose_lhs_hint = false} : vector<16x16xf32>, vector<16x256xf32>, vector<16x256xf32> -> vector<16x256xf32>
      %get3A_50 = arith.constant 0 : index
      %get3A_51 = arith.constant 0 : index
      %get3A_52 = vector.load %arg7[%get3A_50, %get3A_51] : memref<32x16xf32, #tpu.memory_space<vmem>>, vector<32x16xf32>
      %get3A_53 = arith.constant 96 : index
      %get3A_54 = arith.constant 0 : index
      %get3A_55 = vector.load %arg8[%get3A_53, %get3A_54] : memref<128x256xf32, #tpu.memory_space<vmem>>, vector<16x256xf32>
      %dot_general3A_56 = arith.constant dense<0.000000e+00> : vector<32x256xf32>
      %dot_general3A_57 = tpu.matmul %get3A_52, %get3A_55, %dot_general3A_56 {dimension_numbers = #tpu.dot_dimension_numbers<[1], [0], [0], [1], [0, 0, 1, 1], [], []>, transpose_lhs_hint = false} : vector<32x16xf32>, vector<16x256xf32>, vector<32x256xf32> -> vector<32x256xf32>
      %get3A_58 = arith.constant 0 : index
      %get3A_59 = arith.constant 0 : index
      %get3A_60 = vector.load %arg2[%get3A_58, %get3A_59] : memref<512x64xf32, #tpu.memory_space<vmem>>, vector<512x64xf32>
      %get3A_61 = arith.constant 0 : index
      %get3A_62 = arith.constant 0 : index
      %get3A_63 = vector.load %arg8[%get3A_61, %get3A_62] : memref<128x256xf32, #tpu.memory_space<vmem>>, vector<64x256xf32>
      %dot_general3A_64 = arith.constant dense<0.000000e+00> : vector<512x256xf32>
      %dot_general3A_65 = tpu.matmul %get3A_60, %get3A_63, %dot_general3A_64 {dimension_numbers = #tpu.dot_dimension_numbers<[1], [0], [0], [1], [0, 0, 1, 1], [], []>, transpose_lhs_hint = false} : vector<512x64xf32>, vector<64x256xf32>, vector<512x256xf32> -> vector<512x256xf32>
      %dot_general3A_66 = arith.constant dense<0.000000e+00> : vector<512x256xf32>
      %dot_general3A_67 = tpu.matmul %convert_element_type3A_24, %dot_general3A_41, %dot_general3A_66 {dimension_numbers = #tpu.dot_dimension_numbers<[1], [0], [0], [1], [0, 0, 1, 1], [], []>, transpose_lhs_hint = false} : vector<512x32xf32>, vector<32x256xf32>, vector<512x256xf32> -> vector<512x256xf32>
      %add3A = arith.addf %dot_general3A_65, %dot_general3A_67 : vector<512x256xf32>
      %dot_general3A_68 = arith.constant dense<0.000000e+00> : vector<512x256xf32>
      %dot_general3A_69 = tpu.matmul %convert_element_type3A_29, %dot_general3A_49, %dot_general3A_68 {dimension_numbers = #tpu.dot_dimension_numbers<[1], [0], [0], [1], [0, 0, 1, 1], [], []>, transpose_lhs_hint = false} : vector<512x16xf32>, vector<16x256xf32>, vector<512x256xf32> -> vector<512x256xf32>
      %add3A_70 = arith.addf %add3A, %dot_general3A_69 : vector<512x256xf32>
      %dot_general3A_71 = arith.constant dense<0.000000e+00> : vector<512x256xf32>
      %dot_general3A_72 = tpu.matmul %convert_element_type3A_34, %dot_general3A_57, %dot_general3A_71 {dimension_numbers = #tpu.dot_dimension_numbers<[1], [0], [0], [1], [0, 0, 1, 1], [], []>, transpose_lhs_hint = false} : vector<512x32xf32>, vector<32x256xf32>, vector<512x256xf32> -> vector<512x256xf32>
      %add3A_73 = arith.addf %add3A_70, %dot_general3A_72 : vector<512x256xf32>
      %get3A_74 = arith.constant 0 : index
      %get3A_75 = arith.constant 0 : index
      %get3A_76 = vector.load %arg4[%get3A_74, %get3A_75] : memref<512x8xf32, #tpu.memory_space<vmem>>, vector<512x8xf32>
      %get3A_77 = arith.constant 112 : index
      %get3A_78 = arith.constant 0 : index
      %get3A_79 = vector.load %arg8[%get3A_77, %get3A_78] : memref<128x256xf32, #tpu.memory_space<vmem>>, vector<8x256xf32>
      %dot_general3A_80 = arith.constant dense<0.000000e+00> : vector<512x256xf32>
      %dot_general3A_81 = tpu.matmul %get3A_76, %get3A_79, %dot_general3A_80 {dimension_numbers = #tpu.dot_dimension_numbers<[1], [0], [0], [1], [0, 0, 1, 1], [], []>, transpose_lhs_hint = false} : vector<512x8xf32>, vector<8x256xf32>, vector<512x256xf32> -> vector<512x256xf32>
      %add3A_82 = arith.addf %add3A_73, %dot_general3A_81 : vector<512x256xf32>
      %get3A_83 = arith.constant 0 : index
      %get3A_84 = arith.constant 0 : index
      %get3A_85 = vector.load %arg9[%get3A_83, %get3A_84] : memref<1x256xf32, #tpu.memory_space<vmem>>, vector<1x256xf32>
      %add3A_86 = vector.broadcast %get3A_85 : vector<1x256xf32> to vector<512x256xf32>
      %add3A_87 = arith.addf %add3A_82, %add3A_86 : vector<512x256xf32>
      %max3A = arith.constant 0.000000e+00 : f32
      %max3A_88 = vector.broadcast %max3A : f32 to vector<512x256xf32>
      %max3A_89 = arith.maximumf %add3A_87, %max3A_88 : vector<512x256xf32>
      %swap3A = arith.index_cast %mul3A_0 : i32 to index
      %swap3A_90 = arith.constant 0 : index
      %swap3A_91 = vector.load %arg17[%swap3A, %swap3A_90] : memref<4096x256xf32, #tpu.memory_space<vmem>>, vector<512x256xf32>
      tpu.vector_store %arg17[%swap3A, %swap3A_90], %max3A_89 {strides = array<i32>} : memref<4096x256xf32, #tpu.memory_space<vmem>>, vector<512x256xf32>,
      %eq3A_92 = arith.constant 0 : i32
      %eq3A_93 = arith.cmpi eq, %arg1, %eq3A_92 : i32
      %convert_element_type3A_94 = arith.extui %eq3A_93 : i1 to i32
      %cond3A_95 = arith.constant 0 : i32
      %cond3A_96 = arith.cmpi ne, %convert_element_type3A_94, %cond3A_95 : i32
      scf.if %cond3A_96 {
        %broadcast_in_dim3A_116 = arith.constant 0.000000e+00 : f32
        %broadcast_in_dim3A_117 = vector.broadcast %broadcast_in_dim3A_116 : f32 to vector<1x256xf32>
        %swap3A_118 = arith.constant 0 : index
        %swap3A_119 = arith.constant 0 : index
        %swap3A_120 = vector.load %arg19[%swap3A_118, %swap3A_119] : memref<1x256xf32, #tpu.memory_space<vmem>>, vector<1x256xf32>
        tpu.vector_store %arg19[%swap3A_118, %swap3A_119], %broadcast_in_dim3A_117 {strides = array<i32>} : memref<1x256xf32, #tpu.memory_space<vmem>>, vector<1x256xf32>,
        %broadcast_in_dim3A_121 = arith.constant 0.000000e+00 : f32
        %broadcast_in_dim3A_122 = vector.broadcast %broadcast_in_dim3A_121 : f32 to vector<1x256xf32>
        %swap3A_123 = arith.constant 0 : index
        %swap3A_124 = arith.constant 0 : index
        %swap3A_125 = vector.load %arg20[%swap3A_123, %swap3A_124] : memref<1x256xf32, #tpu.memory_space<vmem>>, vector<1x256xf32>
        tpu.vector_store %arg20[%swap3A_123, %swap3A_124], %broadcast_in_dim3A_122 {strides = array<i32>} : memref<1x256xf32, #tpu.memory_space<vmem>>, vector<1x256xf32>,
      } else {
      }
      %get3A_97 = arith.constant 0 : index
      %get3A_98 = arith.constant 0 : index
      %get3A_99 = vector.load %arg19[%get3A_97, %get3A_98] : memref<1x256xf32, #tpu.memory_space<vmem>>, vector<1x256xf32>
      %reduce_sum3A = arith.constant dense<0.000000e+00> : vector<256xf32>
      %reduce_sum3A_100 = vector.multi_reduction <add>, %max3A_89, %reduce_sum3A [0] : vector<512x256xf32> to vector<256xf32>
      %broadcast_in_dim3A = vector.shape_cast %reduce_sum3A_100 : vector<256xf32> to vector<1x256xf32>
      %add3A_101 = arith.addf %get3A_99, %broadcast_in_dim3A : vector<1x256xf32>
      %swap3A_102 = arith.constant 0 : index
      %swap3A_103 = arith.constant 0 : index
      %swap3A_104 = vector.load %arg19[%swap3A_102, %swap3A_103] : memref<1x256xf32, #tpu.memory_space<vmem>>, vector<1x256xf32>
      tpu.vector_store %arg19[%swap3A_102, %swap3A_103], %add3A_101 {strides = array<i32>} : memref<1x256xf32, #tpu.memory_space<vmem>>, vector<1x256xf32>,
      %get3A_105 = arith.constant 0 : index
      %get3A_106 = arith.constant 0 : index
      %get3A_107 = vector.load %arg20[%get3A_105, %get3A_106] : memref<1x256xf32, #tpu.memory_space<vmem>>, vector<1x256xf32>
      %mul3A_108 = arith.mulf %max3A_89, %max3A_89 : vector<512x256xf32>
      %reduce_sum3A_109 = arith.constant dense<0.000000e+00> : vector<256xf32>
      %reduce_sum3A_110 = vector.multi_reduction <add>, %mul3A_108, %reduce_sum3A_109 [0] : vector<512x256xf32> to vector<256xf32>
      %broadcast_in_dim3A_111 = vector.shape_cast %reduce_sum3A_110 : vector<256xf32> to vector<1x256xf32>
      %add3A_112 = arith.addf %get3A_107, %broadcast_in_dim3A_111 : vector<1x256xf32>
      %swap3A_113 = arith.constant 0 : index
      %swap3A_114 = arith.constant 0 : index
      %swap3A_115 = vector.load %arg20[%swap3A_113, %swap3A_114] : memref<1x256xf32, #tpu.memory_space<vmem>>, vector<1x256xf32>
      tpu.vector_store %arg20[%swap3A_113, %swap3A_114], %add3A_112 {strides = array<i32>} : memref<1x256xf32, #tpu.memory_space<vmem>>, vector<1x256xf32>,
    } else {
    }
    %eq3A_3 = arith.constant 1 : i32
    %eq3A_4 = arith.cmpi eq, %arg0, %eq3A_3 : i32
    %convert_element_type3A_5 = arith.extui %eq3A_4 : i1 to i32
    %cond3A_6 = arith.constant 0 : i32
    %cond3A_7 = arith.cmpi ne, %convert_element_type3A_5, %cond3A_6 : i32
    scf.if %cond3A_7 {
      %get3A = arith.constant 0 : index
      %get3A_13 = arith.constant 0 : index
      %get3A_14 = vector.load %arg19[%get3A, %get3A_13] : memref<1x256xf32, #tpu.memory_space<vmem>>, vector<1x256xf32>
      %mul3A_15 = arith.constant 2.44140625E-4 : f32
      %mul3A_16 = vector.broadcast %mul3A_15 : f32 to vector<1x256xf32>
      %mul3A_17 = arith.mulf %get3A_14, %mul3A_16 : vector<1x256xf32>
      %get3A_18 = arith.constant 0 : index
      %get3A_19 = arith.constant 0 : index
      %get3A_20 = vector.load %arg20[%get3A_18, %get3A_19] : memref<1x256xf32, #tpu.memory_space<vmem>>, vector<1x256xf32>
      %mul3A_21 = arith.constant 2.44140625E-4 : f32
      %mul3A_22 = vector.broadcast %mul3A_21 : f32 to vector<1x256xf32>
      %mul3A_23 = arith.mulf %get3A_20, %mul3A_22 : vector<1x256xf32>
      %mul3A_24 = arith.mulf %mul3A_17, %mul3A_17 : vector<1x256xf32>
      %sub3A = arith.subf %mul3A_23, %mul3A_24 : vector<1x256xf32>
      %get3A_25 = arith.constant 0 : index
      %get3A_26 = arith.constant 0 : index
      %get3A_27 = vector.load %arg10[%get3A_25, %get3A_26] : memref<1x256xf32, #tpu.memory_space<vmem>>, vector<1x256xf32>
      %add3A = arith.constant 9.99999974E-6 : f32
      %add3A_28 = vector.broadcast %add3A : f32 to vector<1x256xf32>
      %add3A_29 = arith.addf %sub3A, %add3A_28 : vector<1x256xf32>
      %sqrt3A = math.sqrt %add3A_29 : vector<1x256xf32>
      %div3A = arith.divf %get3A_27, %sqrt3A : vector<1x256xf32>
      %get3A_30 = arith.index_cast %mul3A_0 : i32 to index
      %get3A_31 = arith.constant 0 : index
      %get3A_32 = vector.load %arg17[%get3A_30, %get3A_31] : memref<4096x256xf32, #tpu.memory_space<vmem>>, vector<512x256xf32>
      %sub3A_33 = vector.broadcast %mul3A_17 : vector<1x256xf32> to vector<512x256xf32>
      %sub3A_34 = arith.subf %get3A_32, %sub3A_33 : vector<512x256xf32>
      %mul3A_35 = vector.broadcast %div3A : vector<1x256xf32> to vector<512x256xf32>
      %mul3A_36 = arith.mulf %sub3A_34, %mul3A_35 : vector<512x256xf32>
      %get3A_37 = arith.constant 0 : index
      %get3A_38 = arith.constant 0 : index
      %get3A_39 = vector.load %arg11[%get3A_37, %get3A_38] : memref<1x256xf32, #tpu.memory_space<vmem>>, vector<1x256xf32>
      %add3A_40 = vector.broadcast %get3A_39 : vector<1x256xf32> to vector<512x256xf32>
      %add3A_41 = arith.addf %mul3A_36, %add3A_40 : vector<512x256xf32>
      %get3A_42 = arith.constant 0 : index
      %get3A_43 = arith.constant 0 : index
      %get3A_44 = vector.load %arg12[%get3A_42, %get3A_43] : memref<256x128xf32, #tpu.memory_space<vmem>>, vector<256x128xf32>
      %dot_general3A = arith.constant dense<0.000000e+00> : vector<512x128xf32>
      %dot_general3A_45 = tpu.matmul %add3A_41, %get3A_44, %dot_general3A {dimension_numbers = #tpu.dot_dimension_numbers<[1], [0], [0], [1], [0, 0, 1, 1], [], []>, transpose_lhs_hint = false} : vector<512x256xf32>, vector<256x128xf32>, vector<512x128xf32> -> vector<512x128xf32>
      %get3A_46 = arith.constant 0 : index
      %get3A_47 = arith.constant 0 : index
      %get3A_48 = vector.load %arg13[%get3A_46, %get3A_47] : memref<1x128xf32, #tpu.memory_space<vmem>>, vector<1x128xf32>
      %add3A_49 = vector.broadcast %get3A_48 : vector<1x128xf32> to vector<512x128xf32>
      %add3A_50 = arith.addf %dot_general3A_45, %add3A_49 : vector<512x128xf32>
      %max3A = arith.constant 0.000000e+00 : f32
      %max3A_51 = vector.broadcast %max3A : f32 to vector<512x128xf32>
      %max3A_52 = arith.maximumf %add3A_50, %max3A_51 : vector<512x128xf32>
      %swap3A = arith.index_cast %mul3A_0 : i32 to index
      %swap3A_53 = arith.constant 0 : index
      %swap3A_54 = vector.load %arg18[%swap3A, %swap3A_53] : memref<4096x128xf32, #tpu.memory_space<vmem>>, vector<512x128xf32>
      tpu.vector_store %arg18[%swap3A, %swap3A_53], %max3A_52 {strides = array<i32>} : memref<4096x128xf32, #tpu.memory_space<vmem>>, vector<512x128xf32>,
      %eq3A_55 = arith.constant 0 : i32
      %eq3A_56 = arith.cmpi eq, %arg1, %eq3A_55 : i32
      %convert_element_type3A_57 = arith.extui %eq3A_56 : i1 to i32
      %cond3A_58 = arith.constant 0 : i32
      %cond3A_59 = arith.cmpi ne, %convert_element_type3A_57, %cond3A_58 : i32
      scf.if %cond3A_59 {
        %broadcast_in_dim3A_79 = arith.constant 0.000000e+00 : f32
        %broadcast_in_dim3A_80 = vector.broadcast %broadcast_in_dim3A_79 : f32 to vector<1x128xf32>
        %swap3A_81 = arith.constant 0 : index
        %swap3A_82 = arith.constant 0 : index
        %swap3A_83 = vector.load %arg21[%swap3A_81, %swap3A_82] : memref<1x128xf32, #tpu.memory_space<vmem>>, vector<1x128xf32>
        tpu.vector_store %arg21[%swap3A_81, %swap3A_82], %broadcast_in_dim3A_80 {strides = array<i32>} : memref<1x128xf32, #tpu.memory_space<vmem>>, vector<1x128xf32>,
        %broadcast_in_dim3A_84 = arith.constant 0.000000e+00 : f32
        %broadcast_in_dim3A_85 = vector.broadcast %broadcast_in_dim3A_84 : f32 to vector<1x128xf32>
        %swap3A_86 = arith.constant 0 : index
        %swap3A_87 = arith.constant 0 : index
        %swap3A_88 = vector.load %arg22[%swap3A_86, %swap3A_87] : memref<1x128xf32, #tpu.memory_space<vmem>>, vector<1x128xf32>
        tpu.vector_store %arg22[%swap3A_86, %swap3A_87], %broadcast_in_dim3A_85 {strides = array<i32>} : memref<1x128xf32, #tpu.memory_space<vmem>>, vector<1x128xf32>,
      } else {
      }
      %get3A_60 = arith.constant 0 : index
      %get3A_61 = arith.constant 0 : index
      %get3A_62 = vector.load %arg21[%get3A_60, %get3A_61] : memref<1x128xf32, #tpu.memory_space<vmem>>, vector<1x128xf32>
      %reduce_sum3A = arith.constant dense<0.000000e+00> : vector<128xf32>
      %reduce_sum3A_63 = vector.multi_reduction <add>, %max3A_52, %reduce_sum3A [0] : vector<512x128xf32> to vector<128xf32>
      %broadcast_in_dim3A = vector.shape_cast %reduce_sum3A_63 : vector<128xf32> to vector<1x128xf32>
      %add3A_64 = arith.addf %get3A_62, %broadcast_in_dim3A : vector<1x128xf32>
      %swap3A_65 = arith.constant 0 : index
      %swap3A_66 = arith.constant 0 : index
      %swap3A_67 = vector.load %arg21[%swap3A_65, %swap3A_66] : memref<1x128xf32, #tpu.memory_space<vmem>>, vector<1x128xf32>
      tpu.vector_store %arg21[%swap3A_65, %swap3A_66], %add3A_64 {strides = array<i32>} : memref<1x128xf32, #tpu.memory_space<vmem>>, vector<1x128xf32>,
      %get3A_68 = arith.constant 0 : index
      %get3A_69 = arith.constant 0 : index
      %get3A_70 = vector.load %arg22[%get3A_68, %get3A_69] : memref<1x128xf32, #tpu.memory_space<vmem>>, vector<1x128xf32>
      %mul3A_71 = arith.mulf %max3A_52, %max3A_52 : vector<512x128xf32>
      %reduce_sum3A_72 = arith.constant dense<0.000000e+00> : vector<128xf32>
      %reduce_sum3A_73 = vector.multi_reduction <add>, %mul3A_71, %reduce_sum3A_72 [0] : vector<512x128xf32> to vector<128xf32>
      %broadcast_in_dim3A_74 = vector.shape_cast %reduce_sum3A_73 : vector<128xf32> to vector<1x128xf32>
      %add3A_75 = arith.addf %get3A_70, %broadcast_in_dim3A_74 : vector<1x128xf32>
      %swap3A_76 = arith.constant 0 : index
      %swap3A_77 = arith.constant 0 : index
      %swap3A_78 = vector.load %arg22[%swap3A_76, %swap3A_77] : memref<1x128xf32, #tpu.memory_space<vmem>>, vector<1x128xf32>
      tpu.vector_store %arg22[%swap3A_76, %swap3A_77], %add3A_75 {strides = array<i32>} : memref<1x128xf32, #tpu.memory_space<vmem>>, vector<1x128xf32>,
    } else {
    }
    %eq3A_8 = arith.constant 2 : i32
    %eq3A_9 = arith.cmpi eq, %arg0, %eq3A_8 : i32
    %convert_element_type3A_10 = arith.extui %eq3A_9 : i1 to i32
    %cond3A_11 = arith.constant 0 : i32
    %cond3A_12 = arith.cmpi ne, %convert_element_type3A_10, %cond3A_11 : i32
    scf.if %cond3A_12 {
      %get3A = arith.constant 0 : index
      %get3A_13 = arith.constant 0 : index
      %get3A_14 = vector.load %arg21[%get3A, %get3A_13] : memref<1x128xf32, #tpu.memory_space<vmem>>, vector<1x128xf32>
      %mul3A_15 = arith.constant 2.44140625E-4 : f32
      %mul3A_16 = vector.broadcast %mul3A_15 : f32 to vector<1x128xf32>
      %mul3A_17 = arith.mulf %get3A_14, %mul3A_16 : vector<1x128xf32>
      %get3A_18 = arith.constant 0 : index
      %get3A_19 = arith.constant 0 : index
      %get3A_20 = vector.load %arg22[%get3A_18, %get3A_19] : memref<1x128xf32, #tpu.memory_space<vmem>>, vector<1x128xf32>
      %mul3A_21 = arith.constant 2.44140625E-4 : f32
      %mul3A_22 = vector.broadcast %mul3A_21 : f32 to vector<1x128xf32>
      %mul3A_23 = arith.mulf %get3A_20, %mul3A_22 : vector<1x128xf32>
      %mul3A_24 = arith.mulf %mul3A_17, %mul3A_17 : vector<1x128xf32>
      %sub3A = arith.subf %mul3A_23, %mul3A_24 : vector<1x128xf32>
      %get3A_25 = arith.constant 0 : index
      %get3A_26 = arith.constant 0 : index
      %get3A_27 = vector.load %arg14[%get3A_25, %get3A_26] : memref<1x128xf32, #tpu.memory_space<vmem>>, vector<1x128xf32>
      %add3A = arith.constant 9.99999974E-6 : f32
      %add3A_28 = vector.broadcast %add3A : f32 to vector<1x128xf32>
      %add3A_29 = arith.addf %sub3A, %add3A_28 : vector<1x128xf32>
      %sqrt3A = math.sqrt %add3A_29 : vector<1x128xf32>
      %div3A = arith.divf %get3A_27, %sqrt3A : vector<1x128xf32>
      %get3A_30 = arith.index_cast %mul3A_0 : i32 to index
      %get3A_31 = arith.constant 0 : index
      %get3A_32 = vector.load %arg18[%get3A_30, %get3A_31] : memref<4096x128xf32, #tpu.memory_space<vmem>>, vector<512x128xf32>
      %sub3A_33 = vector.broadcast %mul3A_17 : vector<1x128xf32> to vector<512x128xf32>
      %sub3A_34 = arith.subf %get3A_32, %sub3A_33 : vector<512x128xf32>
      %mul3A_35 = vector.broadcast %div3A : vector<1x128xf32> to vector<512x128xf32>
      %mul3A_36 = arith.mulf %sub3A_34, %mul3A_35 : vector<512x128xf32>
      %get3A_37 = arith.constant 0 : index
      %get3A_38 = arith.constant 0 : index
      %get3A_39 = vector.load %arg15[%get3A_37, %get3A_38] : memref<1x128xf32, #tpu.memory_space<vmem>>, vector<1x128xf32>
      %add3A_40 = vector.broadcast %get3A_39 : vector<1x128xf32> to vector<512x128xf32>
      %add3A_41 = arith.addf %mul3A_36, %add3A_40 : vector<512x128xf32>
      %mul3A_42 = arith.mulf %add3A_41, %add3A_41 : vector<512x128xf32>
      %reduce_sum3A = arith.constant dense<0.000000e+00> : vector<512xf32>
      %reduce_sum3A_43 = vector.multi_reduction <add>, %mul3A_42, %reduce_sum3A [1] : vector<512x128xf32> to vector<512xf32>
      %broadcast_in_dim3A = vector.shape_cast %reduce_sum3A_43 : vector<512xf32> to vector<512x1xf32>
      %sqrt3A_44 = math.sqrt %broadcast_in_dim3A : vector<512x1xf32>
      %max3A = arith.constant 9.99999996E-13 : f32
      %max3A_45 = vector.broadcast %max3A : f32 to vector<512x1xf32>
      %max3A_46 = arith.maximumf %sqrt3A_44, %max3A_45 : vector<512x1xf32>
      %div3A_47 = vector.broadcast %max3A_46 : vector<512x1xf32> to vector<512x128xf32>
      %div3A_48 = arith.divf %add3A_41, %div3A_47 : vector<512x128xf32>
      %swap3A = arith.constant 0 : index
      %swap3A_49 = arith.constant 0 : index
      %swap3A_50 = vector.load %arg16[%swap3A, %swap3A_49] : memref<512x128xf32, #tpu.memory_space<vmem>>, vector<512x128xf32>
      tpu.vector_store %arg16[%swap3A, %swap3A_49], %div3A_48 {strides = array<i32>} : memref<512x128xf32, #tpu.memory_space<vmem>>, vector<512x128xf32>,
    } else {
    }
    return
  }
  func.func @transform_0(%arg0: i32, %arg1: i32) -> (i32, i32) {
    %eq3A = arith.constant 0 : i32
    %eq3A_0 = arith.cmpi eq, %arg0, %eq3A : i32
    %jit3A = arith.constant 0 : i32
    %select_n3A = arith.select %eq3A_0, %arg1, %jit3A : i32
    %c0_i32 = arith.constant 0 : i32
    %c0_i32_1 = arith.constant 0 : i32
    return %select_n3A, %c0_i32 : i32, i32
  }
  func.func @transform_1(%arg0: i32, %arg1: i32) -> (i32, i32) {
    %eq3A = arith.constant 0 : i32
    %eq3A_0 = arith.cmpi eq, %arg0, %eq3A : i32
    %jit3A = arith.constant 0 : i32
    %select_n3A = arith.select %eq3A_0, %arg1, %jit3A : i32
    %c0_i32 = arith.constant 0 : i32
    %c0_i32_1 = arith.constant 0 : i32
    return %select_n3A, %c0_i32 : i32, i32
  }
  func.func @transform_2(%arg0: i32, %arg1: i32) -> (i32, i32) {
    %eq3A = arith.constant 0 : i32
    %eq3A_0 = arith.cmpi eq, %arg0, %eq3A : i32
    %jit3A = arith.constant 0 : i32
    %select_n3A = arith.select %eq3A_0, %arg1, %jit3A : i32
    %c0_i32 = arith.constant 0 : i32
    %c0_i32_1 = arith.constant 0 : i32
    return %select_n3A, %c0_i32 : i32, i32
  }
  func.func @transform_3(%arg0: i32, %arg1: i32) -> (i32, i32) {
    %c0_i32 = arith.constant 0 : i32
    %c0_i32_0 = arith.constant 0 : i32
    %c0_i32_1 = arith.constant 0 : i32
    return %c0_i32, %c0_i32_0 : i32, i32
  }
  func.func @transform_4(%arg0: i32, %arg1: i32) -> (i32, i32) {
    %c0_i32 = arith.constant 0 : i32
    %c0_i32_0 = arith.constant 0 : i32
    %c0_i32_1 = arith.constant 0 : i32
    return %c0_i32, %c0_i32_0 : i32, i32
  }
  func.func @transform_5(%arg0: i32, %arg1: i32) -> (i32, i32) {
    %c0_i32 = arith.constant 0 : i32
    %c0_i32_0 = arith.constant 0 : i32
    %c0_i32_1 = arith.constant 0 : i32
    return %c0_i32, %c0_i32_0 : i32, i32
  }
  func.func @transform_6(%arg0: i32, %arg1: i32) -> (i32, i32) {
    %c0_i32 = arith.constant 0 : i32
    %c0_i32_0 = arith.constant 0 : i32
    %c0_i32_1 = arith.constant 0 : i32
    return %c0_i32, %c0_i32_0 : i32, i32
  }
  func.func @transform_7(%arg0: i32, %arg1: i32) -> (i32, i32) {
    %c0_i32 = arith.constant 0 : i32
    %c0_i32_0 = arith.constant 0 : i32
    %c0_i32_1 = arith.constant 0 : i32
    return %c0_i32, %c0_i32_0 : i32, i32
  }
  func.func @transform_8(%arg0: i32, %arg1: i32) -> (i32, i32) {
    %c0_i32 = arith.constant 0 : i32
    %c0_i32_0 = arith.constant 0 : i32
    %c0_i32_1 = arith.constant 0 : i32
    return %c0_i32, %c0_i32_0 : i32, i32
  }
  func.func @transform_9(%arg0: i32, %arg1: i32) -> (i32, i32) {
    %c0_i32 = arith.constant 0 : i32
    %c0_i32_0 = arith.constant 0 : i32
    %c0_i32_1 = arith.constant 0 : i32
    return %c0_i32, %c0_i32_0 : i32, i32
  }
  func.func @transform_10(%arg0: i32, %arg1: i32) -> (i32, i32) {
    %c0_i32 = arith.constant 0 : i32
    %c0_i32_0 = arith.constant 0 : i32
    %c0_i32_1 = arith.constant 0 : i32
    return %c0_i32, %c0_i32_0 : i32, i32
  }
  func.func @transform_11(%arg0: i32, %arg1: i32) -> (i32, i32) {
    %c0_i32 = arith.constant 0 : i32
    %c0_i32_0 = arith.constant 0 : i32
    %c0_i32_1 = arith.constant 0 : i32
    return %c0_i32, %c0_i32_0 : i32, i32
  }
  func.func @transform_12(%arg0: i32, %arg1: i32) -> (i32, i32) {
    %c0_i32 = arith.constant 0 : i32
    %c0_i32_0 = arith.constant 0 : i32
    %c0_i32_1 = arith.constant 0 : i32
    return %c0_i32, %c0_i32_0 : i32, i32
  }
  func.func @transform_13(%arg0: i32, %arg1: i32) -> (i32, i32) {
    %c0_i32 = arith.constant 0 : i32
    %c0_i32_0 = arith.constant 0 : i32
    %c0_i32_1 = arith.constant 0 : i32
    return %c0_i32, %c0_i32_0 : i32, i32
  }
  func.func @transform_14(%arg0: i32, %arg1: i32) -> (i32, i32) {
    %eq3A = arith.constant 2 : i32
    %eq3A_0 = arith.cmpi eq, %arg0, %eq3A : i32
    %jit3A = arith.constant 0 : i32
    %select_n3A = arith.select %eq3A_0, %arg1, %jit3A : i32
    %c0_i32 = arith.constant 0 : i32
    %c0_i32_1 = arith.constant 0 : i32
    return %select_n3A, %c0_i32 : i32, i32
  }
}

</mosaic_0001>

<sc_bundles>
// kernel: kernel.4.cloned.1.call-start
scs
__scs_entry_jumppad:
0x0: {  	(pc) =	sbr.rel $0x88, $3  }
0x1: {  	(tag) =	ssettag $0x0;
	lr =	simm.s32 $0x1  }
0x2: {  	[smem:$0x3F8B] =	sst lr;
	_ =	strace $0xD0000000  }
0x3: {  	_ = 	snop  }
0x4: {  	_ = 	snop  }
0x5: {  	_ = 	snop  }
0x6: {  	_ = 	snop  }
0x7: {  	_ = 	snop  }
__scs_overlays_trampoline_lowered:
0x8: {  	[smem:$0x3F9A] =	sst s0  }
0x9: {  	[smem:$0x3F9B] =	sst s1  }
0xa: {  	[smem:$0x3F9C] =	sst s2  }
0xb: {  	[smem:$0x3F9D] =	sst s3  }
0xc: {  	[smem:$0x3F9E] =	sst s4  }
0xd: {  	[smem:$0x3F9F] =	sst s5  }
0xe: {  	[smem:$0x3FA0] =	sst s6  }
0xf: {  	[smem:$0x3FA1] =	sst s7  }
0x10: {  	[smem:$0x3FA2] =	sst s8  }
0x11: {  	[smem:$0x3FA3] =	sst s9;
	s0 =	simm.s32 @!p0 $0x0  }
0x12: {  	s1 =	sld [smem:$0x3F89];
	s0 =	simm.s32 @p0 $0x1  }
0x13: {  	[smem:$0x3FA4] =	sst s0;
	s0 =	simm.s32 @!p1 $0x0  }
0x14: {  	s2 =	sld [smem:$0x3F88];
	s0 =	simm.s32 @p1 $0x1  }
0x15: {  	[smem:$0x3FA5] =	sst s0;
	s0 =	simm.s32 @!p2 $0x0  }
0x16: {  	s3 =	sld [smem:$0x3FDB];
	s0 =	simm.s32 @p2 $0x1  }
0x17: {  	s4 =	simm.s32 $0x1BF5;
	[smem:$0x3FA7] =	sst s0  }
0x18: {  	s0 =	sld [smem:$0x3F8A];
	_ =	swait.ge [sflag:s4], $0x0  }
0x19: {  	s7 =	sld [smem:$0x3F8B]  }
0x1a: {  	s8 =	sadd.s32 $0xFFFFE003, lr  }
0x1b: {  	s9 =	sadd.s32 $0xFFFFFEF7, lr;
	s5 =	simm.s32 $0xFFFFFFFF;
	p2 =	slt.u32 s8, $0xFFFFF086  }
0x1c: {  	p1 =	slt.u32 s9, $0xF7A;
	s5 =	simm.s32 @!p2 $0x0  }
0x1d: {  	s5 =	simm.s32 @p1 $0x1;
	p0 =	seq.s32 s7, s2  }
0x1e: {  	s7 =	smul.u32 @!p0 $0xF7A, s2;
	p2 =	seq.s32 @!p0 s5, $0x0  }
0x1f: {  	s9 =	smul.u32 $0xF7A, s1;
	s8 =	simm.s32 @!p0 $0x1BF5;
	p2 =	por !p2, p0  }
0x20: {  	[sflag:s8] =	ssyncset.s32 @!p0 $0xFFFFF086;
	s6 =	sadd.s32 @!p0 s3, s7;
	s7 =	simm.s32 @!p0 $0x108  }
0x21: {  	s3 =	sadd.s32 s3, s9;
	s6 =	sadd.s32 @!p0 $0x88, s6;
	s7 =	simm.s32 @p2 $0x1082  }
0x22: {  	[simem:s7], [sflag:s8] =	dma.local @!p0 [hbm:s6], $0xF7A  }
0x23: {  	s9 =	sor.u32 $0xD0000000, s2;
	s6 =	simm.s32 $0x108;
	_ =	swait.ge @!p0 [sflag:s8], $0x0  }
0x24: {  	s3 =	sadd.s32 $0x88, s3;
	s6 =	simm.s32 @!p1 $0x1082;
	[sflag:s4] =	ssyncset.s32 $0xFFFFF086  }
0x25: {  	[simem:s6], [sflag:s4] =	dma.local [hbm:s3], $0xF7A  }
0x26: {  	[smem:$0x3F8B] =	sst s1;
	(tag) =	ssettag s2;
	_ =	strace s9  }
0x27: {  	s1 =	sld [smem:$0x3F9B]  }
0x28: {  	s2 =	sld [smem:$0x3F9C]  }
0x29: {  	s4 =	sld [smem:$0x3F9E]  }
0x2a: {  	p0 =	seq.s32 s5, $0x0;
	s5 =	sld [smem:$0x3F9F]  }
0x2b: {  	s6 =	sld [smem:$0x3FA0]  }
0x2c: {  	s7 =	sld [smem:$0x3FA1]  }
0x2d: {  	s3 =	simm.s32 $0x108;
	s8 =	sld [smem:$0x3FA2]  }
0x2e: {  	s3 =	simm.s32 @!p0 $0x1082;
	s9 =	sld [smem:$0x3FA3]  }
0x2f: {  	lr =	sadd.s32 s0, s3;
	s0 =	sld [smem:$0x3F9A]  }
0x30: {  	s3 =	sld [smem:$0x3F9D]  }
0x31: {  	[smem:$0x3FA6] =	sst s10  }
0x32: {  	s10 =	sld [smem:$0x3FA4];
	_ =	sdelay $0x3  }
0x33: {  	p0 =	seq.s32 s10, $0x1;
	s10 =	sld [smem:$0x3FA6];
	_ =	sdelay $0x3  }
0x34: {  	[smem:$0x3FA6] =	sst s10  }
0x35: {  	s10 =	sld [smem:$0x3FA5];
	_ =	sdelay $0x3  }
0x36: {  	p1 =	seq.s32 s10, $0x1;
	s10 =	sld [smem:$0x3FA6];
	_ =	sdelay $0x3  }
0x37: {  	[smem:$0x3FA6] =	sst s10  }
0x38: {  	s10 =	sld [smem:$0x3FA7]  }
0x39: {  	_ = 	snop;
	(pc) =	sbr.ind lr, $3  }
0x3a: {  	_ = 	snop  }
0x3b: {  	_ = 	snop  }
0x3c: {  	p2 =	seq.s32 s10, $0x1;
	s10 =	sld [smem:$0x3FA6]  }
0x3d: {  	_ =	shalt  }
0x3e: {  	_ =	shalt  }
0x3f: {  	_ =	shalt  }
0x40: {  	_ =	shalt  }
0x41: {  	_ =	shalt  }
0x42: {  	_ =	shalt  }
0x43: {  	_ =	shalt  }
0x44: {  	_ =	shalt  }
0x45: {  	_ =	shalt  }
0x46: {  	_ =	shalt  }
0x47: {  	_ =	shalt  }
0x48: {  	_ =	shalt  }
0x49: {  	_ =	shalt  }
0x4a: {  	_ =	shalt  }
0x4b: {  	_ =	shalt  }
0x4c: {  	_ =	shalt  }
0x4d: {  	_ =	shalt  }
0x4e: {  	_ =	shalt  }
0x4f: {  	_ =	shalt  }
0x50: {  	_ =	shalt  }
0x51: {  	_ =	shalt  }
0x52: {  	_ =	shalt  }
0x53: {  	_ =	shalt  }
0x54: {  	_ =	shalt  }
0x55: {  	_ =	shalt  }
0x56: {  	_ =	shalt  }
0x57: {  	_ =	shalt  }
0x58: {  	_ =	shalt  }
0x59: {  	_ =	shalt  }
0x5a: {  	_ =	shalt  }
0x5b: {  	_ =	shalt  }
0x5c: {  	_ =	shalt  }
0x5d: {  	_ =	shalt  }
0x5e: {  	_ =	shalt  }
0x5f: {  	_ =	shalt  }
0x60: {  	_ =	shalt  }
0x61: {  	_ =	shalt  }
0x62: {  	_ =	shalt  }
0x63: {  	_ =	shalt  }
0x64: {  	_ =	shalt  }
0x65: {  	_ =	shalt  }
0x66: {  	_ =	shalt  }
0x67: {  	_ =	shalt  }
0x68: {  	_ =	shalt  }
0x69: {  	_ =	shalt  }
0x6a: {  	_ =	shalt  }
0x6b: {  	_ =	shalt  }
0x6c: {  	_ =	shalt  }
0x6d: {  	_ =	shalt  }
0x6e: {  	_ =	shalt  }
0x6f: {  	_ =	shalt  }
0x70: {  	_ =	shalt  }
0x71: {  	_ =	shalt  }
0x72: {  	_ =	shalt  }
0x73: {  	_ =	shalt  }
0x74: {  	_ =	shalt  }
0x75: {  	_ =	shalt  }
0x76: {  	_ =	shalt  }
0x77: {  	_ =	shalt  }
0x78: {  	_ =	shalt  }
0x79: {  	_ =	shalt  }
0x7a: {  	_ =	shalt  }
0x7b: {  	_ =	shalt  }
0x7c: {  	_ =	shalt  }
0x7d: {  	_ =	shalt  }
0x7e: {  	_ =	shalt  }
0x7f: {  	_ =	shalt  }
0x80: {  	_ =	shalt  }
0x81: {  	_ =	shalt  }
0x82: {  	_ =	shalt  }
0x83: {  	_ =	shalt  }
0x84: {  	_ =	shalt  }
0x85: {  	_ =	shalt  }
0x86: {  	_ =	shalt  }
0x87: {  	_ =	shalt  }
.Lfunc_end0:
.L_simem_size_0:
called_computation_lowered:
.L_overlay_start_0:
0x88: {  	s2 =	sld [smem:$0x3FD9]  }
0x89: {  	s3 =	sld [smem:$0x3FFE];
	_ =	sdelay $0x1  }
0x8a: {  	s1 =	srdreg.scid  }
0x8b: {  	s0 =	sand.u32 $0x1, s1  }
0x8c: {  	s17 =	sshll.u32 s0, $0xA;
	s2 =	sadd.s32 s3, s2  }
0x8d: {  	s2 =	sadd.s32 s2, s17  }
0x8e: {  	[smem:$0x3FB2] =	sst s2  }
0x8f: {  	_ = 	snop  }
0x90: {  	s2 =	sld [smem:$0x3FC9]  }
0x91: {  	s18 =	sld [smem:$0x3FD0];
	(tm) =	ssettm $0x1  }
0x92: {  	s4 =	sld [smem:$0x3FFB];
	_ =	sdelay $0x3  }
0x93: {  	_ =	strace s4  }
0x94: {  	s4 =	sld [smem:$0x3FFC];
	_ =	sdelay $0x3  }
0x95: {  	_ =	strace s4  }
0x96: {  	s4 =	sld [smem:$0x3FFD];
	_ =	sdelay $0x3  }
0x97: {  	_ =	strace s4  }
0x98: {  	_ =	strace $0x8FFFFFFF  }
0x99: {  	s19 =	sld [smem:$0x3FDB];
	_ =	sdelay $0x1  }
0x9a: {  	s5 =	simm.s32 $_scs_section_size  }
0x9b: {  	s6 =	simm.s32 $_size__tile_overlayer_lowered;
	s7 =	simm.s32 $_tile_overlayer_lowered  }
0x9c: {  	s22 =	simm.s32 $0x1BFF;
	s21 =	sshll.u32 s7, $0x1;
	s4 =	sadd.s32 s5, s19  }
0x9d: {  	s8 =	simm.s32 $0x0;
	s20 =	sshll.u32 s6, $0x1;
	s6 =	sadd.s32 s21, s4  }
0x9e: {  	[timem:s8], [sflag:s22] =	dma.local [hbm:s6], s20  }
0x9f: {  	_ =	swait.ge [sflag:s22], s20  }
0xa0: {  	s5 =	ssub.s32 $0x0, s20;
	[sflag:s22] =	ssyncset.done $0x0  }
0xa1: {  	[sflag:s22] =	ssyncadd.s32 s5;
	_ =	sdelay $0x1  }
0xa2: {  	s23 =	simm.s32 $0x1B8B  }
0xa3: {  	_ =	swait.ge [sflag:s23], $0x1  }
0xa4: {  	[sflag:s23] =	ssyncset.done $0x0  }
0xa5: {  	s25 =	simm.s32 $0x1B8E;
	s24 =	sld [smem:$0x3FFE];
	[sflag:s23] =	ssyncadd.s32 $0xFFFFFFFF  }
0xa6: {  	s26 =	simm.s32 $execute0_lowered;
	[smem:$0x3FD2] =	sst s25  }
0xa7: {  	s6 =	sshll.u32 s26, $0x1;
	_ =	strace $0x80000046;
	[dreg:$0x1] =	wrdreg $0xFFFFFFFF  }
0xa8: {  	s28 =	simm.s32 $_size_execute0_lowered;
	s4 =	sadd.s32 s4, s6;
	[dreg:$0x0] =	wrdreg $0x0  }
0xa9: {  	s6 =	sshll.u32 s28, $0x1;
	[dreg:$0x2] =	wrdreg s4  }
0xaa: {  	[dreg:$0x3] =	wrdreg s6  }
0xab: {  	[dreg:$0x4] =	wrdreg $0xC0  }
0xac: {  	_ =	task [dreg:s8], $0x5FFFF  }
0xad: {  	[dreg:$0x1] =	wrdreg $0xFFFFFFFF  }
0xae: {  	[dreg:$0x0] =	wrdreg $0x60  }
0xaf: {  	[dreg:$0x2] =	wrdreg s24  }
0xb0: {  	[dreg:$0x3] =	wrdreg s2  }
0xb1: {  	[dreg:$0x4] =	wrdreg s18  }
0xb2: {  	[dreg:$0x5] =	wrdreg $0x9  }
0xb3: {  	_ =	task.clear_ibuf [dreg:s8], $0x6FFFF;
	_ =	strace $0x90000046  }
0xb4: {  	s29 =	simm.s32 $0x9;
	_ =	strace $0x80000048  }
0xb5: {  	_ =	swait.ge [sflag:s29], $0x1  }
0xb6: {  	[sflag:s29] =	ssyncadd.s32 $0xFFFFFFFF  }
0xb7: {  	_ =	strace $0x90000048  }
0xb8: {  	_ =	sfence  }
0xb9: {  	s30 =	sld [smem:$0x0];
	_ =	sdelay $0x2  }
0xba: {  	s31 =	sshll.u32 s1, $0xD;
	s1 =	sshrl.u32 s1, $0x2  }
0xbb: {  	s3 =	sand.u32 $0x4000, s31;
	s1 =	sadd.s32 s1, s30  }
0xbc: {  	s0 =	sor.u32 s3, s0;
	s1 =	sshll.u32 s1, $0x11  }
0xbd: {  	s0 =	sor.u32 s1, s0  }
0xbe: {  	s0 =	sadd.s32 $0x8F2B, s0  }
0xbf: {  	[sflag:s0] =	ssyncadd.remote.s32 $0x1  }
0xc0: {  	_ =	sfence.sel $0xFFFF  }
0xc1: {  	[dreg:$0x0] =	wrdreg $0xFFFFFFFF;
	(pc) =	sbr.abs _section_cstart, $3  }
0xc2: {  	[dreg:$0x1] =	wrdreg $0xFFFFFFFF  }
0xc3: {  	_ =	task.clear_ibuf [dreg:s8], $0x2FFFF;
	_ =	strace $0x9FFFFFFF  }
0xc4: {  	(tm) =	ssettm $0x7FFFFFFF  }
0xc5: {  	_ =	shalt  }
tec
execute0_lowered:
.L_overlay_start_1:
0x0: {  	(tag) =	ssettag $0x1  }
0x1: {  	s5 =	rddreg [dreg:$0x0]  }
0x2: {  	s1 =	srdreg.scid;
	s3 =	rddreg [dreg:$0x1]  }
0x3: {  	s0 =	stileid.u32;
	s8 =	rddreg [dreg:$0x2];
	s6 =	sand.u32 $0x1, s1  }
0x4: {  	s2 =	simm.s32 $0x0;
	s4 =	sshll.u32 s0, $0x8;
	s7 =	sshll.u32 s6, $0x7  }
0x5: {  	[smem:$0x7FF] =	sst s2;
	s9 =	sor.u32 s7, s4  }
0x6: {  	s1 =	rddreg [dreg:$0x3];
	_ =	strace $0x80000047;
	s4 =	sshrl.u32 s9, $0x3  }
0x7: {  	s10 =	ssub.s32 $0x2, s6;
	s4 =	sadd.s32 s3, s4;
	s3 =	simm.s32 $0x2  }
0x8: {  	[tilespmem:s2], [sflag:$0x2] =	stream.linear.gather [hbm4b:s4+s2], $0x80, $0x38;
	[tilespmem:$0x2080] =	vst v63  }
0x9: {  	s5 =	sadd.s32 $0x189600, s5;
	s11 =	sshrl.u32 s10, $0x1;
	_ =	swait.ge [sflag:s3], $0x80  }
0xa: {  	s6 =	simm.s32 $0x80;
	s10 =	ssub.s32 s10, s11;
	[sflag:s3] =	ssyncset.done $0x0  }
0xb: {  	s7 =	simm.s32 $0x1;
	s31 =	smax.u32 s10, $0x1;
	[sflag:s3] =	ssyncadd.s32 $0xFFFFFF80  }
0xc: {  	[tilespmem:s6], [sflag:$0x1] =	stream.indirect.gather [hbm4b:s5+s6], $0x40, s2, s6, $0xb8;
	[tilespmem:$0x2080] =	vst v63  }
0xd: {  	p0 =	sne.s32 s31, $0x1;
	_ =	swait.ge [sflag:s7], $0x2000  }
.Ltmp0:
0xe: {  	s9 =	sshll.u32 s9, $0x3;
	[sflag:s7] =	ssyncset.done $0x0;
	(pc) =	sbr.rel @!p0 .LBB2_2-.Ltmp0, $4  }
0xf: {  	s8 =	sadd.s32 s8, s9;
	[sflag:s7] =	ssyncadd.s32 $0xFFFFE000  }
0x10: {  	[hbm4b:s8+s2] =	stream.linear.scatter [tilespmem:s6], [sflag:$0x2], $0x2000, $0x38;
	[tilespmem:$0x2080] =	vst v63  }
0x11: {  	_ =	swait.ge [sflag:s3], $0x2000  }
0x12: {  	s9 =	sadd.s32 $0xFFFFFFFF, s31;
	[sflag:s3] =	ssyncset.done $0x0  }
.LBB2_1:
0x13: {  	p0 =	sne.s32 s9, $0x1;
	s9 =	sadd.s32 $0xFFFFFFFF, s9;
	[sflag:s3] =	ssyncadd.s32 $0xFFFFE000  }
0x14: {  	[tilespmem:s2], [sflag:$0x2] =	stream.linear.gather [hbm4b:s4+s2], $0x80, $0x38;
	[tilespmem:$0x2080] =	vst v63  }
0x15: {  	_ =	swait.ge [sflag:s3], $0x80  }
0x16: {  	[sflag:s3] =	ssyncset.done $0x0  }
0x17: {  	[sflag:s3] =	ssyncadd.s32 $0xFFFFFF80  }
0x18: {  	[tilespmem:s6], [sflag:$0x1] =	stream.indirect.gather [hbm4b:s5+s6], $0x40, s2, s6, $0xb8;
	[tilespmem:$0x2080] =	vst v63  }
0x19: {  	_ =	swait.ge [sflag:s7], $0x2000  }
.Ltmp1:
0x1a: {  	[sflag:s7] =	ssyncset.done $0x0;
	(pc) =	sbr.rel @p0 .LBB2_1-.Ltmp1, $4  }
0x1b: {  	[sflag:s7] =	ssyncadd.s32 $0xFFFFE000  }
0x1c: {  	[hbm4b:s8+s2] =	stream.linear.scatter [tilespmem:s6], [sflag:$0x2], $0x2000, $0x38;
	[tilespmem:$0x2080] =	vst v63  }
0x1d: {  	_ =	swait.ge [sflag:s3], $0x2000  }
0x1e: {  	[sflag:s3] =	ssyncset.done $0x0  }
.LBB2_2:
0x1f: {  	[sflag:s3] =	ssyncadd.s32 $0xFFFFE000  }
0x20: {  	_ =	sfence.sel $0x180000  }
0x21: {  	[bflag:$0x0] =	sbarrier.arrive $0xFFFF  }
0x22: {  	p0 =	sne.s32 s0, $0x0;
	_ =	strace $0x90000047  }
0x23: {  	s0 =	sadd.s32 @!p0 $0x100000, s1;
	[bflag:$0x2] =	sbarrier.arrive $0xFFFF  }
0x24: {  	[sflag:s0] =	ssyncadd.tile.s32 @!p0 $0x1;
	_ =	shalt  }
.Lfunc_end2:
_tile_overlayer_lowered:
.L_overlay_start_2:
0x25: {  	(tag) =	ssettag $0x2  }
0x26: {  	s0 =	rddreg [dreg:$0x0];
	s2 =	stileid.u32  }
0x27: {  	s1 =	rddreg [dreg:$0x1];
	p0 =	sne.s32 s2, $0x0  }
0x28: {  	s3 =	rddreg [dreg:$0x2];
	[bflag:$0x3] =	sbarrier.arrive $0xFFFF;
	s2 =	simm.s32 @!p0 $0x1C02  }
0x29: {  	[timem:s3], [sflag:s2] =	dma.local @!p0 [hbm:s0], s1  }
0x2a: {  	s0 =	simm.s32 @!p0 $0x2  }
0x2b: {  	_ =	swait.ge @!p0 [sflag:s0], s1  }
0x2c: {  	s1 =	ssub.s32 @!p0 $0x0, s1;
	[sflag:s0] =	ssyncset.done @!p0 $0x0  }
0x2d: {  	[sflag:s0] =	ssyncadd.s32 @!p0 s1  }
0x2e: {  	[bflag:$0x3] =	sbarrier.arrive $0xFFFF  }
0x2f: {  	_ =	shalt  }

</sc_bundles>
